<compile_context>
chip_gen: v7x
topology: tpu7x:2x2x1
jax: 0.10.2.dev20260603
libtpu: 0.0.44.dev20260713+nightly
codegen_flags: <defaults>
</compile_context>

<pallas_src>
import functools

import jax
import jax.numpy as jnp
from jax import lax
from jax.experimental import pallas as pl
from jax.experimental.pallas import tpu as pltpu
from jax.experimental.pallas import tpu_sc as plsc

B = 16384
N_CELLS = 64
N_NODES = 66
L = 16

_info = plsc.get_sparse_core_info()
NC, NS = 1, _info.num_subcores
NW = NC * NS
BPW = B // NW


def _sc_interp(cid_hbm, sf_hbm, nv0_hbm, nv1_hbm, conn_hbm, out_hbm,
               cid_v, sf_v, nv0_v, nv1_v, conn_v, out0_v, out1_v, sem):
    wid = lax.axis_index("s") * NC + lax.axis_index("c")
    base = wid * BPW

    cps = [
        pltpu.async_copy(cid_hbm.at[pl.ds(base, BPW)], cid_v, sem),
        pltpu.async_copy(sf_hbm.at[pl.ds(base * 3, BPW * 3)], sf_v, sem),
        pltpu.async_copy(nv0_hbm, nv0_v, sem),
        pltpu.async_copy(nv1_hbm, nv1_v, sem),
        pltpu.async_copy(conn_hbm, conn_v, sem),
    ]
    for cp in cps:
        cp.wait()

    iota3 = lax.iota(jnp.int32, L) * 3

    def body(i, _):
        cid = cid_v[pl.ds(i * L, L)]
        c3 = cid * 3
        r3 = i * (3 * L) + iota3
        acc0 = jnp.zeros((L,), jnp.float32)
        acc1 = jnp.zeros((L,), jnp.float32)
        for k in range(3):
            n = plsc.load_gather(conn_v, [c3 + k]) - 1
            w = plsc.load_gather(sf_v, [r3 + k])
            acc0 += w * plsc.load_gather(nv0_v, [n])
            acc1 += w * plsc.load_gather(nv1_v, [n])
        out0_v[pl.ds(i * L, L)] = acc0
        out1_v[pl.ds(i * L, L)] = acc1
        return _

    lax.fori_loop(0, BPW // L, body, None, unroll=1)

    o0 = pltpu.async_copy(out0_v, out_hbm.at[0, pl.ds(base, BPW)], sem)
    o1 = pltpu.async_copy(out1_v, out_hbm.at[1, pl.ds(base, BPW)], sem)
    o0.wait()
    o1.wait()


@functools.partial(
    pl.kernel,
    mesh=plsc.VectorSubcoreMesh(core_axis_name="c", subcore_axis_name="s", num_cores=1),
    out_type=jax.ShapeDtypeStruct((2, B), jnp.float32),
    compiler_params=pltpu.CompilerParams(needs_layout_passes=False),
    scratch_types=[
        pltpu.VMEM((BPW,), jnp.int32),
        pltpu.VMEM((BPW * 3,), jnp.float32),
        pltpu.VMEM((N_NODES,), jnp.float32),
        pltpu.VMEM((N_NODES,), jnp.float32),
        pltpu.VMEM((N_CELLS * 3,), jnp.int32),
        pltpu.VMEM((BPW,), jnp.float32),
        pltpu.VMEM((BPW,), jnp.float32),
        pltpu.SemaphoreType.DMA,
    ],
)
def _interp_kernel(*refs):
    _sc_interp(*refs)


def kernel(x, cell_id, nodal_values, shape_functions, connectivity):
    del x
    sf_flat = shape_functions.reshape(-1)
    nv0 = nodal_values[0, :, 0]
    nv1 = nodal_values[1, :, 0]
    conn_flat = connectivity.reshape(-1)
    return _interp_kernel(cell_id, sf_flat, nv0, nv1, conn_flat)

# --- scband reference (transcript-rebuilt; emitter-appended) ---
"""Pipeline reference for scband-interpolation-block2-d-lin-69896297775288 (READ-ONLY COPY).

The authoritative reference and input builder live on the scoring server;
editing this copy changes nothing except your own understanding.
"""

import jax, jax.numpy as jnp
import numpy as np

N_CELLS = 64
N_NODES = 66
B = 16384

def _make_connectivity():
    # triangle strip mesh, 1-indexed node ids, matches init_kwargs literal
    c = np.stack([np.arange(1, N_CELLS + 1), np.arange(2, N_CELLS + 2), np.arange(3, N_CELLS + 3)], axis=1)
    return jnp.asarray(c, dtype=jnp.int32)

def setup_inputs(seed: int = 0) -> dict:
    key = jax.random.key(seed)
    k1, k2, k3, k4 = jax.random.split(key, 4)
    x = jax.random.normal(k1, (B, 2), dtype=jnp.float32)
    cell_id = jax.random.randint(k2, (B,), 0, N_CELLS)
    nodal_values = jax.random.normal(k3, (2, N_NODES, 1), dtype=jnp.float32)
    shape_functions = jax.random.uniform(k4, (B, 3), dtype=jnp.float32)
    connectivity = _make_connectivity()
    return {"x": x, "cell_id": cell_id, "nodal_values": nodal_values, "shape_functions": shape_functions, "connectivity": connectivity}

def reference(x, cell_id, nodal_values, shape_functions, connectivity):
    # cell_nodes_IDs = connectivity[cell_id, :] - 1  -> [B, 3]
    cell_nodes = jnp.take(connectivity, cell_id, axis=0) - 1
    # nodal_values: [2, N_NODES, 1]; gathering val[row] then cat over B, stack over dims -> [2, B]
    node1 = nodal_values[:, cell_nodes[:, 0], 0]
    node2 = nodal_values[:, cell_nodes[:, 1], 0]
    node3 = nodal_values[:, cell_nodes[:, 2], 0]
    out = shape_functions[:, 0] * node1 + shape_functions[:, 1] * node2 + shape_functions[:, 2] * node3
    return out

if __name__ == "__main__":
    import jax
    _d = setup_inputs()
    print(jax.jit(kernel)(*tuple(_d.values())))

</pallas_src>

<mosaic_0001>
#map = affine_map<(d0, d1) -> (0)>
#map1 = affine_map<(d0, d1) -> (0, 0)>
module attributes {stable_mosaic.version = 14 : i64} {
  func.func @_interp_kernel(%arg0: i32, %arg1: i32, %arg2: memref<16384xi32, #tpu.memory_space<hbm>>, %arg3: memref<49152xf32, #tpu.memory_space<hbm>>, %arg4: memref<66xf32, #tpu.memory_space<hbm>>, %arg5: memref<66xf32, #tpu.memory_space<hbm>>, %arg6: memref<192xi32, #tpu.memory_space<hbm>>, %arg7: memref<2x16384xf32, #tpu.memory_space<hbm>>, %arg8: memref<1024xi32, #tpu.memory_space<vmem>>, %arg9: memref<3072xf32, #tpu.memory_space<vmem>>, %arg10: memref<66xf32, #tpu.memory_space<vmem>>, %arg11: memref<66xf32, #tpu.memory_space<vmem>>, %arg12: memref<192xi32, #tpu.memory_space<vmem>>, %arg13: memref<1024xf32, #tpu.memory_space<vmem>>, %arg14: memref<1024xf32, #tpu.memory_space<vmem>>, %arg15: memref<!tpu.dma_semaphore, #tpu.memory_space<semaphore_mem>>) attributes {dimension_semantics = [#tpu.dimension_semantics<core_parallel>, #tpu.dimension_semantics<subcore_parallel>], iteration_bounds = array<i64: 1, 16>, scalar_prefetch = 0 : i64, scratch_operands = 8 : i64, tpu.core_type = #tpu.core_type<sc_vector_subcore>, window_params = [{transform_indices = #map}, {transform_indices = #map}, {transform_indices = #map}, {transform_indices = #map}, {transform_indices = #map}, {transform_indices = #map1}]} {
    %mul3A = arith.constant 1 : i32
    %mul3A_0 = arith.muli %arg1, %mul3A : i32
    %add3A = arith.addi %mul3A_0, %arg0 : i32
    %mul3A_1 = arith.constant 1024 : i32
    %mul3A_2 = arith.muli %add3A, %mul3A_1 : i32
    %dma_start3A = tpu.memref_slice %arg2[%mul3A_2] : memref<16384xi32, #tpu.memory_space<hbm>> -> memref<1024xi32, #tpu.memory_space<hbm>>
    %dma_start3A_3 = tpu.memref_slice %arg2[%mul3A_2] : memref<16384xi32, #tpu.memory_space<hbm>> -> memref<1024xi32, #tpu.memory_space<hbm>>
    tpu.enqueue_dma source(%dma_start3A_3 : memref<1024xi32, #tpu.memory_space<hbm>>) target(%arg8 : memref<1024xi32, #tpu.memory_space<vmem>>) target_semaphore(%arg15 : memref<!tpu.dma_semaphore, #tpu.memory_space<semaphore_mem>>)
    %mul3A_4 = arith.constant 3 : i32
    %mul3A_5 = arith.muli %mul3A_2, %mul3A_4 : i32
    %dma_start3A_6 = tpu.memref_slice %arg3[%mul3A_5] : memref<49152xf32, #tpu.memory_space<hbm>> -> memref<3072xf32, #tpu.memory_space<hbm>>
    %dma_start3A_7 = tpu.memref_slice %arg3[%mul3A_5] : memref<49152xf32, #tpu.memory_space<hbm>> -> memref<3072xf32, #tpu.memory_space<hbm>>
    tpu.enqueue_dma source(%dma_start3A_7 : memref<3072xf32, #tpu.memory_space<hbm>>) target(%arg9 : memref<3072xf32, #tpu.memory_space<vmem>>) target_semaphore(%arg15 : memref<!tpu.dma_semaphore, #tpu.memory_space<semaphore_mem>>)
    tpu.enqueue_dma source(%arg4 : memref<66xf32, #tpu.memory_space<hbm>>) target(%arg10 : memref<66xf32, #tpu.memory_space<vmem>>) target_semaphore(%arg15 : memref<!tpu.dma_semaphore, #tpu.memory_space<semaphore_mem>>)
    tpu.enqueue_dma source(%arg5 : memref<66xf32, #tpu.memory_space<hbm>>) target(%arg11 : memref<66xf32, #tpu.memory_space<vmem>>) target_semaphore(%arg15 : memref<!tpu.dma_semaphore, #tpu.memory_space<semaphore_mem>>)
    tpu.enqueue_dma source(%arg6 : memref<192xi32, #tpu.memory_space<hbm>>) target(%arg12 : memref<192xi32, #tpu.memory_space<vmem>>) target_semaphore(%arg15 : memref<!tpu.dma_semaphore, #tpu.memory_space<semaphore_mem>>)
    %dma_wait3A = tpu.memref_slice %arg2[%mul3A_2] : memref<16384xi32, #tpu.memory_space<hbm>> -> memref<1024xi32, #tpu.memory_space<hbm>>
    %dma_wait3A_8 = tpu.memref_slice %arg2[%mul3A_2] : memref<16384xi32, #tpu.memory_space<hbm>> -> memref<1024xi32, #tpu.memory_space<hbm>>
    tpu.wait_dma2 semaphore(%arg15 : memref<!tpu.dma_semaphore, #tpu.memory_space<semaphore_mem>>) src(%dma_wait3A_8 : memref<1024xi32, #tpu.memory_space<hbm>>) dst(%arg8 : memref<1024xi32, #tpu.memory_space<vmem>>)
    %dma_wait3A_9 = tpu.memref_slice %arg3[%mul3A_5] : memref<49152xf32, #tpu.memory_space<hbm>> -> memref<3072xf32, #tpu.memory_space<hbm>>
    %dma_wait3A_10 = tpu.memref_slice %arg3[%mul3A_5] : memref<49152xf32, #tpu.memory_space<hbm>> -> memref<3072xf32, #tpu.memory_space<hbm>>
    tpu.wait_dma2 semaphore(%arg15 : memref<!tpu.dma_semaphore, #tpu.memory_space<semaphore_mem>>) src(%dma_wait3A_10 : memref<3072xf32, #tpu.memory_space<hbm>>) dst(%arg9 : memref<3072xf32, #tpu.memory_space<vmem>>)
    tpu.wait_dma2 semaphore(%arg15 : memref<!tpu.dma_semaphore, #tpu.memory_space<semaphore_mem>>) src(%arg4 : memref<66xf32, #tpu.memory_space<hbm>>) dst(%arg10 : memref<66xf32, #tpu.memory_space<vmem>>)
    tpu.wait_dma2 semaphore(%arg15 : memref<!tpu.dma_semaphore, #tpu.memory_space<semaphore_mem>>) src(%arg5 : memref<66xf32, #tpu.memory_space<hbm>>) dst(%arg11 : memref<66xf32, #tpu.memory_space<vmem>>)
    tpu.wait_dma2 semaphore(%arg15 : memref<!tpu.dma_semaphore, #tpu.memory_space<semaphore_mem>>) src(%arg6 : memref<192xi32, #tpu.memory_space<hbm>>) dst(%arg12 : memref<192xi32, #tpu.memory_space<vmem>>)
    %iota3A = tpu.iota {dimensions = array<i32: 0>} : vector<16xi32>
    %mul3A_11 = arith.constant 3 : i32
    %mul3A_12 = vector.broadcast %mul3A_11 : i32 to vector<16xi32>
    %mul3A_13 = arith.muli %iota3A, %mul3A_12 : vector<16xi32>
    %scan3A = arith.constant 0 : i32
    %scan3A_14 = arith.constant 64 : i32
    %scan3A_15 = arith.addi %scan3A, %scan3A_14 : i32
    %scan3A_16 = arith.constant 1 : i32
    scf.for %scan3A_38 = %scan3A to %scan3A_15 step %scan3A_16  : i32 {
      %mul3A_39 = arith.constant 16 : i32
      %mul3A_40 = arith.muli %scan3A_38, %mul3A_39 : i32
      %get3A = arith.index_cast %mul3A_40 : i32 to index
      %get3A_41 = tpu.vector_load %arg8[%get3A] {strides = array<i32>} : memref<1024xi32, #tpu.memory_space<vmem>>, vector<16xi32>,
      %mul3A_42 = arith.constant 3 : i32
      %mul3A_43 = vector.broadcast %mul3A_42 : i32 to vector<16xi32>
      %mul3A_44 = arith.muli %get3A_41, %mul3A_43 : vector<16xi32>
      %mul3A_45 = arith.constant 48 : i32
      %mul3A_46 = arith.muli %scan3A_38, %mul3A_45 : i32
      %add3A_47 = vector.broadcast %mul3A_46 : i32 to vector<16xi32>
      %add3A_48 = arith.addi %add3A_47, %mul3A_13 : vector<16xi32>
      %broadcast_in_dim3A = arith.constant 0.000000e+00 : f32
      %broadcast_in_dim3A_49 = vector.broadcast %broadcast_in_dim3A : f32 to vector<16xf32>
      %broadcast_in_dim3A_50 = arith.constant 0.000000e+00 : f32
      %broadcast_in_dim3A_51 = vector.broadcast %broadcast_in_dim3A_50 : f32 to vector<16xf32>
      %add3A_52 = arith.constant 0 : i32
      %add3A_53 = vector.broadcast %add3A_52 : i32 to vector<16xi32>
      %add3A_54 = arith.addi %mul3A_44, %add3A_53 : vector<16xi32>
      %gather3A = tpu.vector_load_idx %arg12[%add3A_54] : memref<192xi32, #tpu.memory_space<vmem>>[vector<16xi32>], vector<16xi32>,
      %sub3A = arith.constant 1 : i32
      %sub3A_55 = vector.broadcast %sub3A : i32 to vector<16xi32>
      %sub3A_56 = arith.subi %gather3A, %sub3A_55 : vector<16xi32>
      %add3A_57 = arith.constant 0 : i32
      %add3A_58 = vector.broadcast %add3A_57 : i32 to vector<16xi32>
      %add3A_59 = arith.addi %add3A_48, %add3A_58 : vector<16xi32>
      %gather3A_60 = tpu.vector_load_idx %arg9[%add3A_59] : memref<3072xf32, #tpu.memory_space<vmem>>[vector<16xi32>], vector<16xf32>,
      %gather3A_61 = tpu.vector_load_idx %arg10[%sub3A_56] : memref<66xf32, #tpu.memory_space<vmem>>[vector<16xi32>], vector<16xf32>,
      %mul3A_62 = arith.mulf %gather3A_60, %gather3A_61 : vector<16xf32>
      %add3A_63 = arith.addf %broadcast_in_dim3A_49, %mul3A_62 : vector<16xf32>
      %gather3A_64 = tpu.vector_load_idx %arg11[%sub3A_56] : memref<66xf32, #tpu.memory_space<vmem>>[vector<16xi32>], vector<16xf32>,
      %mul3A_65 = arith.mulf %gather3A_60, %gather3A_64 : vector<16xf32>
      %add3A_66 = arith.addf %broadcast_in_dim3A_51, %mul3A_65 : vector<16xf32>
      %add3A_67 = arith.constant 1 : i32
      %add3A_68 = vector.broadcast %add3A_67 : i32 to vector<16xi32>
      %add3A_69 = arith.addi %mul3A_44, %add3A_68 : vector<16xi32>
      %gather3A_70 = tpu.vector_load_idx %arg12[%add3A_69] : memref<192xi32, #tpu.memory_space<vmem>>[vector<16xi32>], vector<16xi32>,
      %sub3A_71 = arith.constant 1 : i32
      %sub3A_72 = vector.broadcast %sub3A_71 : i32 to vector<16xi32>
      %sub3A_73 = arith.subi %gather3A_70, %sub3A_72 : vector<16xi32>
      %add3A_74 = arith.constant 1 : i32
      %add3A_75 = vector.broadcast %add3A_74 : i32 to vector<16xi32>
      %add3A_76 = arith.addi %add3A_48, %add3A_75 : vector<16xi32>
      %gather3A_77 = tpu.vector_load_idx %arg9[%add3A_76] : memref<3072xf32, #tpu.memory_space<vmem>>[vector<16xi32>], vector<16xf32>,
      %gather3A_78 = tpu.vector_load_idx %arg10[%sub3A_73] : memref<66xf32, #tpu.memory_space<vmem>>[vector<16xi32>], vector<16xf32>,
      %mul3A_79 = arith.mulf %gather3A_77, %gather3A_78 : vector<16xf32>
      %add3A_80 = arith.addf %add3A_63, %mul3A_79 : vector<16xf32>
      %gather3A_81 = tpu.vector_load_idx %arg11[%sub3A_73] : memref<66xf32, #tpu.memory_space<vmem>>[vector<16xi32>], vector<16xf32>,
      %mul3A_82 = arith.mulf %gather3A_77, %gather3A_81 : vector<16xf32>
      %add3A_83 = arith.addf %add3A_66, %mul3A_82 : vector<16xf32>
      %add3A_84 = arith.constant 2 : i32
      %add3A_85 = vector.broadcast %add3A_84 : i32 to vector<16xi32>
      %add3A_86 = arith.addi %mul3A_44, %add3A_85 : vector<16xi32>
      %gather3A_87 = tpu.vector_load_idx %arg12[%add3A_86] : memref<192xi32, #tpu.memory_space<vmem>>[vector<16xi32>], vector<16xi32>,
      %sub3A_88 = arith.constant 1 : i32
      %sub3A_89 = vector.broadcast %sub3A_88 : i32 to vector<16xi32>
      %sub3A_90 = arith.subi %gather3A_87, %sub3A_89 : vector<16xi32>
      %add3A_91 = arith.constant 2 : i32
      %add3A_92 = vector.broadcast %add3A_91 : i32 to vector<16xi32>
      %add3A_93 = arith.addi %add3A_48, %add3A_92 : vector<16xi32>
      %gather3A_94 = tpu.vector_load_idx %arg9[%add3A_93] : memref<3072xf32, #tpu.memory_space<vmem>>[vector<16xi32>], vector<16xf32>,
      %gather3A_95 = tpu.vector_load_idx %arg10[%sub3A_90] : memref<66xf32, #tpu.memory_space<vmem>>[vector<16xi32>], vector<16xf32>,
      %mul3A_96 = arith.mulf %gather3A_94, %gather3A_95 : vector<16xf32>
      %add3A_97 = arith.addf %add3A_80, %mul3A_96 : vector<16xf32>
      %gather3A_98 = tpu.vector_load_idx %arg11[%sub3A_90] : memref<66xf32, #tpu.memory_space<vmem>>[vector<16xi32>], vector<16xf32>,
      %mul3A_99 = arith.mulf %gather3A_94, %gather3A_98 : vector<16xf32>
      %add3A_100 = arith.addf %add3A_83, %mul3A_99 : vector<16xf32>
      %mul3A_101 = arith.constant 16 : i32
      %mul3A_102 = arith.muli %scan3A_38, %mul3A_101 : i32
      %swap3A = arith.index_cast %mul3A_102 : i32 to index
      %swap3A_103 = tpu.vector_load %arg13[%swap3A] {strides = array<i32>} : memref<1024xf32, #tpu.memory_space<vmem>>, vector<16xf32>,
      tpu.vector_store %arg13[%swap3A], %add3A_97 {strides = array<i32>} : memref<1024xf32, #tpu.memory_space<vmem>>, vector<16xf32>,
      %mul3A_104 = arith.constant 16 : i32
      %mul3A_105 = arith.muli %scan3A_38, %mul3A_104 : i32
      %swap3A_106 = arith.index_cast %mul3A_105 : i32 to index
      %swap3A_107 = tpu.vector_load %arg14[%swap3A_106] {strides = array<i32>} : memref<1024xf32, #tpu.memory_space<vmem>>, vector<16xf32>,
      tpu.vector_store %arg14[%swap3A_106], %add3A_100 {strides = array<i32>} : memref<1024xf32, #tpu.memory_space<vmem>>, vector<16xf32>,
    }
    %scan3A_17 = arith.constant 64 : i32
    %dma_start3A_18 = arith.constant 0 : i32
    %dma_start3A_19 = tpu.memref_slice %arg7[%dma_start3A_18, %mul3A_2] : memref<2x16384xf32, #tpu.memory_space<hbm>> -> memref<1x1024xf32, #tpu.memory_space<hbm>>
    %dma_start3A_20 = tpu.memref_squeeze %dma_start3A_19 : memref<1x1024xf32, #tpu.memory_space<hbm>> -> memref<1024xf32, #tpu.memory_space<hbm>>
    %dma_start3A_21 = tpu.memref_slice %arg7[%dma_start3A_18, %mul3A_2] : memref<2x16384xf32, #tpu.memory_space<hbm>> -> memref<1x1024xf32, #tpu.memory_space<hbm>>
    %dma_start3A_22 = tpu.memref_squeeze %dma_start3A_21 : memref<1x1024xf32, #tpu.memory_space<hbm>> -> memref<1024xf32, #tpu.memory_space<hbm>>
    tpu.enqueue_dma source(%arg13 : memref<1024xf32, #tpu.memory_space<vmem>>) target(%dma_start3A_22 : memref<1024xf32, #tpu.memory_space<hbm>>) target_semaphore(%arg15 : memref<!tpu.dma_semaphore, #tpu.memory_space<semaphore_mem>>)
    %dma_start3A_23 = arith.constant 1 : i32
    %dma_start3A_24 = tpu.memref_slice %arg7[%dma_start3A_23, %mul3A_2] : memref<2x16384xf32, #tpu.memory_space<hbm>> -> memref<1x1024xf32, #tpu.memory_space<hbm>>
    %dma_start3A_25 = tpu.memref_squeeze %dma_start3A_24 : memref<1x1024xf32, #tpu.memory_space<hbm>> -> memref<1024xf32, #tpu.memory_space<hbm>>
    %dma_start3A_26 = tpu.memref_slice %arg7[%dma_start3A_23, %mul3A_2] : memref<2x16384xf32, #tpu.memory_space<hbm>> -> memref<1x1024xf32, #tpu.memory_space<hbm>>
    %dma_start3A_27 = tpu.memref_squeeze %dma_start3A_26 : memref<1x1024xf32, #tpu.memory_space<hbm>> -> memref<1024xf32, #tpu.memory_space<hbm>>
    tpu.enqueue_dma source(%arg14 : memref<1024xf32, #tpu.memory_space<vmem>>) target(%dma_start3A_27 : memref<1024xf32, #tpu.memory_space<hbm>>) target_semaphore(%arg15 : memref<!tpu.dma_semaphore, #tpu.memory_space<semaphore_mem>>)
    %dma_wait3A_28 = arith.constant 0 : i32
    %dma_wait3A_29 = tpu.memref_slice %arg7[%dma_wait3A_28, %mul3A_2] : memref<2x16384xf32, #tpu.memory_space<hbm>> -> memref<1x1024xf32, #tpu.memory_space<hbm>>
    %dma_wait3A_30 = tpu.memref_squeeze %dma_wait3A_29 : memref<1x1024xf32, #tpu.memory_space<hbm>> -> memref<1024xf32, #tpu.memory_space<hbm>>
    %dma_wait3A_31 = tpu.memref_slice %arg7[%dma_wait3A_28, %mul3A_2] : memref<2x16384xf32, #tpu.memory_space<hbm>> -> memref<1x1024xf32, #tpu.memory_space<hbm>>
    %dma_wait3A_32 = tpu.memref_squeeze %dma_wait3A_31 : memref<1x1024xf32, #tpu.memory_space<hbm>> -> memref<1024xf32, #tpu.memory_space<hbm>>
    tpu.wait_dma2 semaphore(%arg15 : memref<!tpu.dma_semaphore, #tpu.memory_space<semaphore_mem>>) src(%arg13 : memref<1024xf32, #tpu.memory_space<vmem>>) dst(%dma_wait3A_32 : memref<1024xf32, #tpu.memory_space<hbm>>)
    %dma_wait3A_33 = arith.constant 1 : i32
    %dma_wait3A_34 = tpu.memref_slice %arg7[%dma_wait3A_33, %mul3A_2] : memref<2x16384xf32, #tpu.memory_space<hbm>> -> memref<1x1024xf32, #tpu.memory_space<hbm>>
    %dma_wait3A_35 = tpu.memref_squeeze %dma_wait3A_34 : memref<1x1024xf32, #tpu.memory_space<hbm>> -> memref<1024xf32, #tpu.memory_space<hbm>>
    %dma_wait3A_36 = tpu.memref_slice %arg7[%dma_wait3A_33, %mul3A_2] : memref<2x16384xf32, #tpu.memory_space<hbm>> -> memref<1x1024xf32, #tpu.memory_space<hbm>>
    %dma_wait3A_37 = tpu.memref_squeeze %dma_wait3A_36 : memref<1x1024xf32, #tpu.memory_space<hbm>> -> memref<1024xf32, #tpu.memory_space<hbm>>
    tpu.wait_dma2 semaphore(%arg15 : memref<!tpu.dma_semaphore, #tpu.memory_space<semaphore_mem>>) src(%arg14 : memref<1024xf32, #tpu.memory_space<vmem>>) dst(%dma_wait3A_37 : memref<1024xf32, #tpu.memory_space<hbm>>)
    return
  }
}

</mosaic_0001>

<sc_bundles>
// kernel: kernel.3.cloned.1.call-start
scs
__scs_entry_jumppad:
0x0: {  	(pc) =	sbr.rel $0x88, $3  }
0x1: {  	(tag) =	ssettag $0x0;
	lr =	simm.s32 $0x1  }
0x2: {  	[smem:$0x3F9D] =	sst lr;
	_ =	strace $0xD0000000  }
0x3: {  	_ = 	snop  }
0x4: {  	_ = 	snop  }
0x5: {  	_ = 	snop  }
0x6: {  	_ = 	snop  }
0x7: {  	_ = 	snop  }
__scs_overlays_trampoline_lowered:
0x8: {  	[smem:$0x3FAC] =	sst s0  }
0x9: {  	[smem:$0x3FAD] =	sst s1  }
0xa: {  	[smem:$0x3FAE] =	sst s2  }
0xb: {  	[smem:$0x3FAF] =	sst s3  }
0xc: {  	[smem:$0x3FB0] =	sst s4  }
0xd: {  	[smem:$0x3FB1] =	sst s5  }
0xe: {  	[smem:$0x3FB2] =	sst s6  }
0xf: {  	[smem:$0x3FB3] =	sst s7  }
0x10: {  	[smem:$0x3FB4] =	sst s8  }
0x11: {  	[smem:$0x3FB5] =	sst s9;
	s0 =	simm.s32 @!p0 $0x0  }
0x12: {  	s1 =	sld [smem:$0x3F9B];
	s0 =	simm.s32 @p0 $0x1  }
0x13: {  	[smem:$0x3FB6] =	sst s0;
	s0 =	simm.s32 @!p1 $0x0  }
0x14: {  	s2 =	sld [smem:$0x3F9A];
	s0 =	simm.s32 @p1 $0x1  }
0x15: {  	[smem:$0x3FB7] =	sst s0;
	s0 =	simm.s32 @!p2 $0x0  }
0x16: {  	s3 =	sld [smem:$0x3FDB];
	s0 =	simm.s32 @p2 $0x1  }
0x17: {  	s4 =	simm.s32 $0x1BF5;
	[smem:$0x3FB9] =	sst s0  }
0x18: {  	s0 =	sld [smem:$0x3F9C];
	_ =	swait.ge [sflag:s4], $0x0  }
0x19: {  	s7 =	sld [smem:$0x3F9D]  }
0x1a: {  	s8 =	sadd.s32 $0xFFFFE003, lr  }
0x1b: {  	s9 =	sadd.s32 $0xFFFFFEF7, lr;
	s5 =	simm.s32 $0xFFFFFFFF;
	p2 =	slt.u32 s8, $0xFFFFF086  }
0x1c: {  	p1 =	slt.u32 s9, $0xF7A;
	s5 =	simm.s32 @!p2 $0x0  }
0x1d: {  	s5 =	simm.s32 @p1 $0x1;
	p0 =	seq.s32 s7, s2  }
0x1e: {  	s7 =	smul.u32 @!p0 $0xF7A, s2;
	p2 =	seq.s32 @!p0 s5, $0x0  }
0x1f: {  	s9 =	smul.u32 $0xF7A, s1;
	s8 =	simm.s32 @!p0 $0x1BF5;
	p2 =	por !p2, p0  }
0x20: {  	[sflag:s8] =	ssyncset.s32 @!p0 $0xFFFFF086;
	s6 =	sadd.s32 @!p0 s3, s7;
	s7 =	simm.s32 @!p0 $0x108  }
0x21: {  	s3 =	sadd.s32 s3, s9;
	s6 =	sadd.s32 @!p0 $0x88, s6;
	s7 =	simm.s32 @p2 $0x1082  }
0x22: {  	[simem:s7], [sflag:s8] =	dma.local @!p0 [hbm:s6], $0xF7A  }
0x23: {  	s9 =	sor.u32 $0xD0000000, s2;
	s6 =	simm.s32 $0x108;
	_ =	swait.ge @!p0 [sflag:s8], $0x0  }
0x24: {  	s3 =	sadd.s32 $0x88, s3;
	s6 =	simm.s32 @!p1 $0x1082;
	[sflag:s4] =	ssyncset.s32 $0xFFFFF086  }
0x25: {  	[simem:s6], [sflag:s4] =	dma.local [hbm:s3], $0xF7A  }
0x26: {  	[smem:$0x3F9D] =	sst s1;
	(tag) =	ssettag s2;
	_ =	strace s9  }
0x27: {  	s1 =	sld [smem:$0x3FAD]  }
0x28: {  	s2 =	sld [smem:$0x3FAE]  }
0x29: {  	s4 =	sld [smem:$0x3FB0]  }
0x2a: {  	p0 =	seq.s32 s5, $0x0;
	s5 =	sld [smem:$0x3FB1]  }
0x2b: {  	s6 =	sld [smem:$0x3FB2]  }
0x2c: {  	s7 =	sld [smem:$0x3FB3]  }
0x2d: {  	s3 =	simm.s32 $0x108;
	s8 =	sld [smem:$0x3FB4]  }
0x2e: {  	s3 =	simm.s32 @!p0 $0x1082;
	s9 =	sld [smem:$0x3FB5]  }
0x2f: {  	lr =	sadd.s32 s0, s3;
	s0 =	sld [smem:$0x3FAC]  }
0x30: {  	s3 =	sld [smem:$0x3FAF]  }
0x31: {  	[smem:$0x3FB8] =	sst s10  }
0x32: {  	s10 =	sld [smem:$0x3FB6];
	_ =	sdelay $0x3  }
0x33: {  	p0 =	seq.s32 s10, $0x1;
	s10 =	sld [smem:$0x3FB8];
	_ =	sdelay $0x3  }
0x34: {  	[smem:$0x3FB8] =	sst s10  }
0x35: {  	s10 =	sld [smem:$0x3FB7];
	_ =	sdelay $0x3  }
0x36: {  	p1 =	seq.s32 s10, $0x1;
	s10 =	sld [smem:$0x3FB8];
	_ =	sdelay $0x3  }
0x37: {  	[smem:$0x3FB8] =	sst s10  }
0x38: {  	s10 =	sld [smem:$0x3FB9]  }
0x39: {  	_ = 	snop;
	(pc) =	sbr.ind lr, $3  }
0x3a: {  	_ = 	snop  }
0x3b: {  	_ = 	snop  }
0x3c: {  	p2 =	seq.s32 s10, $0x1;
	s10 =	sld [smem:$0x3FB8]  }
0x3d: {  	_ =	shalt  }
0x3e: {  	_ =	shalt  }
0x3f: {  	_ =	shalt  }
0x40: {  	_ =	shalt  }
0x41: {  	_ =	shalt  }
0x42: {  	_ =	shalt  }
0x43: {  	_ =	shalt  }
0x44: {  	_ =	shalt  }
0x45: {  	_ =	shalt  }
0x46: {  	_ =	shalt  }
0x47: {  	_ =	shalt  }
0x48: {  	_ =	shalt  }
0x49: {  	_ =	shalt  }
0x4a: {  	_ =	shalt  }
0x4b: {  	_ =	shalt  }
0x4c: {  	_ =	shalt  }
0x4d: {  	_ =	shalt  }
0x4e: {  	_ =	shalt  }
0x4f: {  	_ =	shalt  }
0x50: {  	_ =	shalt  }
0x51: {  	_ =	shalt  }
0x52: {  	_ =	shalt  }
0x53: {  	_ =	shalt  }
0x54: {  	_ =	shalt  }
0x55: {  	_ =	shalt  }
0x56: {  	_ =	shalt  }
0x57: {  	_ =	shalt  }
0x58: {  	_ =	shalt  }
0x59: {  	_ =	shalt  }
0x5a: {  	_ =	shalt  }
0x5b: {  	_ =	shalt  }
0x5c: {  	_ =	shalt  }
0x5d: {  	_ =	shalt  }
0x5e: {  	_ =	shalt  }
0x5f: {  	_ =	shalt  }
0x60: {  	_ =	shalt  }
0x61: {  	_ =	shalt  }
0x62: {  	_ =	shalt  }
0x63: {  	_ =	shalt  }
0x64: {  	_ =	shalt  }
0x65: {  	_ =	shalt  }
0x66: {  	_ =	shalt  }
0x67: {  	_ =	shalt  }
0x68: {  	_ =	shalt  }
0x69: {  	_ =	shalt  }
0x6a: {  	_ =	shalt  }
0x6b: {  	_ =	shalt  }
0x6c: {  	_ =	shalt  }
0x6d: {  	_ =	shalt  }
0x6e: {  	_ =	shalt  }
0x6f: {  	_ =	shalt  }
0x70: {  	_ =	shalt  }
0x71: {  	_ =	shalt  }
0x72: {  	_ =	shalt  }
0x73: {  	_ =	shalt  }
0x74: {  	_ =	shalt  }
0x75: {  	_ =	shalt  }
0x76: {  	_ =	shalt  }
0x77: {  	_ =	shalt  }
0x78: {  	_ =	shalt  }
0x79: {  	_ =	shalt  }
0x7a: {  	_ =	shalt  }
0x7b: {  	_ =	shalt  }
0x7c: {  	_ =	shalt  }
0x7d: {  	_ =	shalt  }
0x7e: {  	_ =	shalt  }
0x7f: {  	_ =	shalt  }
0x80: {  	_ =	shalt  }
0x81: {  	_ =	shalt  }
0x82: {  	_ =	shalt  }
0x83: {  	_ =	shalt  }
0x84: {  	_ =	shalt  }
0x85: {  	_ =	shalt  }
0x86: {  	_ =	shalt  }
0x87: {  	_ =	shalt  }
.Lfunc_end0:
.L_simem_size_0:
called_computation_lowered:
.L_overlay_start_0:
0x88: {  	s0 =	sld [smem:$0x3FD9]  }
0x89: {  	s1 =	sld [smem:$0x3FFE];
	_ =	sdelay $0x3  }
0x8a: {  	s0 =	sadd.s32 s1, s0  }
0x8b: {  	[smem:$0x3FC4] =	sst s0  }
0x8c: {  	_ = 	snop  }
0x8d: {  	s0 =	sld [smem:$0x3FC9]  }
0x8e: {  	s16 =	sld [smem:$0x3FD0];
	(tm) =	ssettm $0x1  }
0x8f: {  	s2 =	sld [smem:$0x3FFB];
	_ =	sdelay $0x3  }
0x90: {  	_ =	strace s2  }
0x91: {  	s2 =	sld [smem:$0x3FFC];
	_ =	sdelay $0x3  }
0x92: {  	_ =	strace s2  }
0x93: {  	s2 =	sld [smem:$0x3FFD];
	_ =	sdelay $0x3  }
0x94: {  	_ =	strace s2  }
0x95: {  	_ =	strace $0x8FFFFFFF  }
0x96: {  	s17 =	sld [smem:$0x3FDB];
	_ =	sdelay $0x1  }
0x97: {  	s3 =	simm.s32 $_scs_section_size  }
0x98: {  	s4 =	simm.s32 $_size__tile_overlayer_lowered;
	s5 =	simm.s32 $_tile_overlayer_lowered  }
0x99: {  	s20 =	simm.s32 $0x1BFF;
	s19 =	sshll.u32 s5, $0x1;
	s2 =	sadd.s32 s3, s17  }
0x9a: {  	s6 =	simm.s32 $0x0;
	s18 =	sshll.u32 s4, $0x1;
	s4 =	sadd.s32 s19, s2  }
0x9b: {  	[timem:s6], [sflag:s20] =	dma.local [hbm:s4], s18  }
0x9c: {  	_ =	swait.ge [sflag:s20], s18  }
0x9d: {  	s3 =	ssub.s32 $0x0, s18;
	[sflag:s20] =	ssyncset.done $0x0  }
0x9e: {  	[sflag:s20] =	ssyncadd.s32 s3;
	_ =	sdelay $0x1  }
0x9f: {  	s21 =	simm.s32 $0x1B8B  }
0xa0: {  	_ =	swait.ge [sflag:s21], $0x1  }
0xa1: {  	[sflag:s21] =	ssyncset.done $0x0  }
0xa2: {  	s23 =	simm.s32 $0x1B8E;
	s22 =	sld [smem:$0x3FFE];
	[sflag:s21] =	ssyncadd.s32 $0xFFFFFFFF  }
0xa3: {  	s24 =	simm.s32 $execute0_lowered;
	[smem:$0x3FD2] =	sst s23  }
0xa4: {  	s4 =	sshll.u32 s24, $0x1;
	_ =	strace $0x80000046;
	[dreg:$0x1] =	wrdreg $0xFFFFFFFF  }
0xa5: {  	s25 =	simm.s32 $_size_execute0_lowered;
	s2 =	sadd.s32 s2, s4;
	[dreg:$0x0] =	wrdreg $0x0  }
0xa6: {  	s4 =	sshll.u32 s25, $0x1;
	[dreg:$0x2] =	wrdreg s2  }
0xa7: {  	[dreg:$0x3] =	wrdreg s4  }
0xa8: {  	[dreg:$0x4] =	wrdreg $0xC0  }
0xa9: {  	_ =	task [dreg:s6], $0x5FFFF  }
0xaa: {  	[dreg:$0x1] =	wrdreg $0xFFFFFFFF  }
0xab: {  	[dreg:$0x0] =	wrdreg $0x60  }
0xac: {  	[dreg:$0x2] =	wrdreg s0  }
0xad: {  	[dreg:$0x3] =	wrdreg s22  }
0xae: {  	[dreg:$0x4] =	wrdreg s16  }
0xaf: {  	[dreg:$0x5] =	wrdreg $0x9  }
0xb0: {  	_ =	task.clear_ibuf [dreg:s6], $0x6FFFF;
	_ =	strace $0x90000046  }
0xb1: {  	s26 =	simm.s32 $0x9;
	_ =	strace $0x80000048  }
0xb2: {  	_ =	swait.ge [sflag:s26], $0x1  }
0xb3: {  	[sflag:s26] =	ssyncadd.s32 $0xFFFFFFFF  }
0xb4: {  	_ =	strace $0x90000048  }
0xb5: {  	_ =	sfence  }
0xb6: {  	s28 =	sld [smem:$0x0];
	_ =	sdelay $0x1  }
0xb7: {  	s29 =	srdreg.scid  }
0xb8: {  	s30 =	sshll.u32 s29, $0xD;
	s31 =	sshrl.u32 s29, $0x2  }
0xb9: {  	s1 =	sand.u32 $0x1, s29;
	s2 =	sand.u32 $0x4000, s30;
	s0 =	sadd.s32 s31, s28  }
0xba: {  	s1 =	sor.u32 s2, s1;
	s0 =	sshll.u32 s0, $0x11  }
0xbb: {  	s0 =	sor.u32 s0, s1  }
0xbc: {  	s0 =	sadd.s32 $0x8F2B, s0  }
0xbd: {  	[sflag:s0] =	ssyncadd.remote.s32 $0x1  }
0xbe: {  	_ =	sfence.sel $0xFFFF  }
0xbf: {  	[dreg:$0x0] =	wrdreg $0xFFFFFFFF;
	(pc) =	sbr.abs _section_cstart, $3  }
0xc0: {  	[dreg:$0x1] =	wrdreg $0xFFFFFFFF  }
0xc1: {  	_ =	task.clear_ibuf [dreg:s6], $0x2FFFF;
	_ =	strace $0x9FFFFFFF  }
0xc2: {  	(tm) =	ssettm $0x7FFFFFFF  }
0xc3: {  	_ =	shalt  }
tec
execute0_lowered:
.L_overlay_start_1:
0x0: {  	(tag) =	ssettag $0x1  }
0x1: {  	s4 =	rddreg [dreg:$0x0]  }
0x2: {  	s7 =	rddreg [dreg:$0x1]  }
0x3: {  	s2 =	rddreg [dreg:$0x2];
	s1 =	stileid.u32  }
0x4: {  	s0 =	rddreg [dreg:$0x3];
	s3 =	simm.s32 $0x0;
	s5 =	smul.u32 $0x180, s1  }
0x5: {  	[smem:$0x7FF] =	sst s3;
	s6 =	sshll.u32 s1, $0x7  }
0x6: {  	_ =	strace $0x80000047;
	s4 =	sadd.s32 s4, s6;
	s5 =	sadd.s32 s5, s7  }
0x7: {  	[tilespmem:s3], [sflag:$0x1] =	stream.linear.gather [hbm4b:s4+s3], $0x400, $0x38;
	[tilespmem:$0x1A00] =	vst v63  }
0x8: {  	s4 =	simm.s32 $0x400;
	s5 =	sadd.s32 $0xA00, s5  }
0x9: {  	[tilespmem:s4], [sflag:$0x1] =	stream.linear.gather [hbm4b:s5+s3], $0xC00, $0x38;
	[tilespmem:$0x1A00] =	vst v63  }
0xa: {  	s29 =	sadd.s32 $0x2400, s7;
	s5 =	simm.s32 $0x1000  }
0xb: {  	[tilespmem:s5], [sflag:$0x1] =	stream.linear.gather [hbm4b:s29+s3], $0x80, $0x38;
	[tilespmem:$0x1A00] =	vst v63  }
0xc: {  	s8 =	sadd.s32 $0x2200, s7;
	s6 =	simm.s32 $0x1080  }
0xd: {  	[tilespmem:s6], [sflag:$0x1] =	stream.linear.gather [hbm4b:s8+s3], $0x80, $0x38;
	[tilespmem:$0x1A00] =	vst v63  }
0xe: {  	s31 =	simm.s32 $0x1;
	s30 =	sadd.s32 $0x2600, s7;
	s7 =	simm.s32 $0x1100  }
0xf: {  	[tilespmem:s7], [sflag:$0x1] =	stream.linear.gather [hbm4b:s30+s3], $0x100, $0x38;
	[tilespmem:$0x1A00] =	vst v63  }
0x10: {  	_ =	swait.ge [sflag:s31], $0x400  }
0x11: {  	[sflag:s31] =	ssyncset.done $0x0  }
0x12: {  	[sflag:s31] =	ssyncadd.s32 $0xFFFFFC00  }
0x13: {  	_ =	swait.ge [sflag:s31], $0xC00  }
0x14: {  	[sflag:s31] =	ssyncset.done $0x0  }
0x15: {  	[sflag:s31] =	ssyncadd.s32 $0xFFFFF400  }
0x16: {  	_ =	swait.ge [sflag:s31], $0x80  }
0x17: {  	[sflag:s31] =	ssyncset.done $0x0  }
0x18: {  	[sflag:s31] =	ssyncadd.s32 $0xFFFFFF80  }
0x19: {  	_ =	swait.ge [sflag:s31], $0x80  }
0x1a: {  	[sflag:s31] =	ssyncset.done $0x0  }
0x1b: {  	v0 =	vlaneseq.u32;
	[sflag:s31] =	ssyncadd.s32 $0xFFFFFF80  }
0x1c: {  	v0 =	vmul.u32 $0x3, v0;
	_ =	swait.ge [sflag:s31], $0x100  }
0x1d: {  	s9 =	simm.s32 $0x1600;
	[sflag:s31] =	ssyncset.done $0x0  }
0x1e: {  	s10 =	simm.s32 $0x0;
	v1 =	vadd.s32 $0x1, v0;
	v2 =	vadd.s32 $0x2, v0;
	s8 =	simm.s32 $0x1200;
	[sflag:s31] =	ssyncadd.s32 $0xFFFFFF00  }
.LBB2_1:
0x1f: {  	v3 =	vld [tilespmem:s3+$0x0];
	_ =	sdelay $0x4  }
0x20: {  	v3 =	vmul.u32 $0x3, v3;
	_ =	sdelay $0x3  }
0x21: {  	v4 =	vadd.s32 $0x1, v3;
	_ =	sdelay $0x1  }
0x22: {  	v5 =	vld.idx.msk [tilespmem:v3+s7+$0x0], $0xffff;
	v3 =	vadd.s32 $0x2, v3;
	_ =	sdelay $0x2  }
0x23: {  	v6 =	vadd.s32 s10, v0;
	v4 =	vld.idx.msk [tilespmem:v4+s7+$0x0], $0xffff  }
0x24: {  	v7 =	vadd.s32 s10, v1  }
0x25: {  	v9 =	vadd.s32 s10, v2;
	v3 =	vld.idx.msk [tilespmem:v3+s7+$0x0], $0xffff  }
0x26: {  	v5 =	vadd.s32 $0xFFFFFFFF, v5;
	_ =	sdelay $0x1  }
0x27: {  	v6 =	vld.idx.msk [tilespmem:v6+s4+$0x0], $0xffff;
	v4 =	vadd.s32 $0xFFFFFFFF, v4  }
0x28: {  	v7 =	vld.idx.msk [tilespmem:v7+s4+$0x0], $0xffff  }
0x29: {  	v9 =	vld.idx.msk [tilespmem:v9+s4+$0x0], $0xffff;
	v3 =	vadd.s32 $0xFFFFFFFF, v3  }
0x2a: {  	v8 =	vld.idx.msk [tilespmem:v5+s5+$0x0], $0xffff  }
0x2b: {  	v5 =	vld.idx.msk [tilespmem:v5+s6+$0x0], $0xffff  }
0x2c: {  	v10 =	vld.idx.msk [tilespmem:v4+s5+$0x0], $0xffff  }
0x2d: {  	v4 =	vld.idx.msk [tilespmem:v4+s6+$0x0], $0xffff  }
0x2e: {  	v11 =	vld.idx.msk [tilespmem:v3+s5+$0x0], $0xffff  }
0x2f: {  	v8 =	vmul.f32 v8, v6;
	v3 =	vld.idx.msk [tilespmem:v3+s6+$0x0], $0xffff  }
0x30: {  	v5 =	vmul.f32 v5, v6  }
0x31: {  	v61 =	vmul.f32 v10, v7;
	v60 =	vadd.f32 $0.0e+00, v8  }
0x32: {  	v4 =	vmul.f32 v4, v7;
	v5 =	vadd.f32 $0.0e+00, v5  }
0x33: {  	p0 =	sne.s32 s10, $0xBD0;
	v6 =	vadd.f32 v61, v60;
	v62 =	vmul.f32 v11, v9  }
.Ltmp0:
0x34: {  	v4 =	vadd.f32 v4, v5;
	v3 =	vmul.f32 v3, v9;
	(pc) =	sbr.rel @p0 .LBB2_1-.Ltmp0, $4  }
0x35: {  	v63 =	vadd.f32 v62, v6  }
0x36: {  	v3 =	vadd.f32 v3, v4  }
0x37: {  	s3 =	sadd.s32 $0x10, s3;
	[tilespmem:s8+$0x0] =	vst v63  }
0x38: {  	s10 =	sadd.s32 $0x30, s10;
	s8 =	sadd.s32 $0x10, s8;
	[tilespmem:s9+$0x0] =	vst v3;
	s9 =	sadd.s32 $0x10, s9  }
0x39: {  	s3 =	sshll.u32 s1, $0x8;
	s29 =	simm.s32 $0x80  }
0x3a: {  	s4 =	simm.s32 $0x100;
	s5 =	simm.s32 $0x1200;
	s2 =	sadd.s32 s2, s3  }
0x3b: {  	[hbm4b:s2+s29] =	stream.strided.scatter [tilespmem:s5], [sflag:$0x1], $0x400, s4, s29, $0x38;
	[tilespmem:$0x1A00] =	vst v63  }
0x3c: {  	s30 =	simm.s32 $0x1600;
	s31 =	simm.s32 $0x1;
	s2 =	sadd.s32 $0x10, s2  }
0x3d: {  	[hbm4b:s2+s29] =	stream.strided.scatter [tilespmem:s30], [sflag:$0x1], $0x400, s4, s29, $0x38;
	[tilespmem:$0x1A00] =	vst v63  }
0x3e: {  	_ =	swait.ge [sflag:s31], $0x400  }
0x3f: {  	[sflag:s31] =	ssyncset.done $0x0  }
0x40: {  	[sflag:s31] =	ssyncadd.s32 $0xFFFFFC00  }
0x41: {  	_ =	swait.ge [sflag:s31], $0x400  }
0x42: {  	[sflag:s31] =	ssyncset.done $0x0  }
0x43: {  	[sflag:s31] =	ssyncadd.s32 $0xFFFFFC00  }
0x44: {  	_ =	sfence.sel $0x180000  }
0x45: {  	[bflag:$0x0] =	sbarrier.arrive $0xFFFF  }
0x46: {  	p0 =	sne.s32 s1, $0x0;
	_ =	strace $0x90000047  }
0x47: {  	s0 =	sadd.s32 @!p0 $0x100000, s0;
	[bflag:$0x2] =	sbarrier.arrive $0xFFFF  }
0x48: {  	[sflag:s0] =	ssyncadd.tile.s32 @!p0 $0x1;
	_ =	shalt  }
.Lfunc_end2:
_tile_overlayer_lowered:
.L_overlay_start_2:
0x49: {  	(tag) =	ssettag $0x2  }
0x4a: {  	s0 =	rddreg [dreg:$0x0];
	s2 =	stileid.u32  }
0x4b: {  	s1 =	rddreg [dreg:$0x1];
	p0 =	sne.s32 s2, $0x0  }
0x4c: {  	s3 =	rddreg [dreg:$0x2];
	[bflag:$0x3] =	sbarrier.arrive $0xFFFF;
	s2 =	simm.s32 @!p0 $0x1C02  }
0x4d: {  	[timem:s3], [sflag:s2] =	dma.local @!p0 [hbm:s0], s1  }
0x4e: {  	s0 =	simm.s32 @!p0 $0x2  }
0x4f: {  	_ =	swait.ge @!p0 [sflag:s0], s1  }
0x50: {  	s1 =	ssub.s32 @!p0 $0x0, s1;
	[sflag:s0] =	ssyncset.done @!p0 $0x0  }
0x51: {  	[sflag:s0] =	ssyncadd.s32 @!p0 s1  }
0x52: {  	[bflag:$0x3] =	sbarrier.arrive $0xFFFF  }
0x53: {  	_ =	shalt  }

</sc_bundles>
